<compile_context>
chip_gen: v7x
topology: tpu7x:2x2x1
jax: 0.10.2.dev20260603
libtpu: 0.0.44.dev20260713+nightly
codegen_flags: <defaults>
</compile_context>

<pallas_src>
import jax
import jax.numpy as jnp
from jax import lax
from jax.experimental import pallas as pl
from jax.experimental.pallas import tpu as pltpu, tpu_sc as plsc

SEQ_LEN = 200
VOCAB = 100000
EMBED_DIM = 64
BATCH = 4096

NUM_CORES = 2
NUM_SUBCORES = 16
NUM_WORKERS = NUM_CORES * NUM_SUBCORES
ROWS_PER_WORKER = BATCH // NUM_WORKERS
IDX_PER_WORKER = ROWS_PER_WORKER * SEQ_LEN
LANES = 16
CHUNKS_PER_ROW = EMBED_DIM // LANES
SCALE = 8.0
NBUF = 4

GATHER_SPLITS = ((0, 128), (128, 72))


CHUNKS_PER_WORKER = IDX_PER_WORKER // 128


def _sc_kernel(idx_hbm, table_hbm, out_hbm, idx_v, gbuf, gsems, wsems):
    wid = lax.axis_index("s") * NUM_CORES + lax.axis_index("c")
    flat_base = wid * IDX_PER_WORKER

    pltpu.sync_copy(idx_hbm.at[pl.ds(wid * CHUNKS_PER_WORKER,
                                     CHUNKS_PER_WORKER)], idx_v)

    def issue_gather(c, k):
        pltpu.async_copy(table_hbm.at[idx_v.at[c]], gbuf.at[k], gsems[k])

    def wait_gather(c, k):
        pltpu.make_async_copy(table_hbm.at[idx_v.at[c]], gbuf.at[k],
                              gsems[k]).wait()

    def issue_write(c, k):
        pltpu.async_copy(gbuf.at[k],
                         out_hbm.at[pl.ds(flat_base + c * 128, 128)],
                         wsems[k])

    def wait_write(c, k):
        pltpu.make_async_copy(
            gbuf.at[k], out_hbm.at[pl.ds(flat_base + c * 128, 128)],
            wsems[k]).wait()

    for k in range(NBUF - 1):
        issue_gather(k, k)

    def ring_body(g, _):
        u_outer = g * NBUF
        for k in range(NBUF):
            u = u_outer + k
            wait_gather(u, k)
            issue_write(u, k)

            r = u + NBUF - 1
            kr = (k - 1) % NBUF

            @pl.when(r < CHUNKS_PER_WORKER)
            def _():
                @pl.when(u >= 1)
                def _():
                    wait_write(u - 1, kr)

                issue_gather(r, kr)

        return ()

    lax.fori_loop(0, CHUNKS_PER_WORKER // NBUF, ring_body, ())

    for k in range(NBUF):
        wait_write(CHUNKS_PER_WORKER - NBUF + k, k)


TC_BLOCK = 64


def _tc_epilogue(g_ref, pos_ref, out_ref):
    x = g_ref[...].reshape(2 * TC_BLOCK, SEQ_LEN // 2, 2 * EMBED_DIM)
    y = jnp.transpose(x, (1, 2, 0))
    out_ref[...] = y * SCALE + pos_ref[...][:, :, None]


@jax.jit
def kernel(inputs, token_table, pos_table):
    mesh = plsc.VectorSubcoreMesh(core_axis_name="c", subcore_axis_name="s")
    f = pl.kernel(
        _sc_kernel,
        out_type=jax.ShapeDtypeStruct((BATCH * SEQ_LEN, EMBED_DIM),
                                      jnp.float32),
        mesh=mesh,
        scratch_types=[
            pltpu.VMEM((CHUNKS_PER_WORKER, 128), jnp.int32),
            pltpu.VMEM((NBUF, 128, EMBED_DIM), jnp.float32),
            [pltpu.SemaphoreType.DMA] * NBUF,
            [pltpu.SemaphoreType.DMA] * NBUF,
        ],
        compiler_params=pltpu.CompilerParams(use_tc_tiling_on_sc=False),
    )
    out2d = f(inputs.reshape(BATCH * SEQ_LEN // 128, 128), token_table)
    g3 = out2d.reshape(BATCH // 2, SEQ_LEN, 2 * EMBED_DIM)
    pos2 = pos_table.reshape(SEQ_LEN // 2, 2 * EMBED_DIM)
    out_t = pl.pallas_call(
        _tc_epilogue,
        grid=(BATCH // 2 // TC_BLOCK,),
        in_specs=[
            pl.BlockSpec((TC_BLOCK, SEQ_LEN, 2 * EMBED_DIM),
                         lambda i: (i, 0, 0)),
            pl.BlockSpec((SEQ_LEN // 2, 2 * EMBED_DIM), lambda i: (0, 0)),
        ],
        out_specs=pl.BlockSpec((SEQ_LEN // 2, 2 * EMBED_DIM, 2 * TC_BLOCK),
                               lambda i: (0, 0, i)),
        out_shape=jax.ShapeDtypeStruct((SEQ_LEN // 2, 2 * EMBED_DIM, BATCH),
                                       jnp.float32),
        compiler_params=pltpu.CompilerParams(
            vmem_limit_bytes=100 * 1024 * 1024),
    )(g3, pos2)
    return out_t.reshape(SEQ_LEN, EMBED_DIM, BATCH).transpose(2, 0, 1)

# --- scband reference (transcript-rebuilt; emitter-appended) ---
"""Pipeline reference for scband-positional-embedding-55559696941091 (READ-ONLY COPY).

The authoritative reference and input builder live on the scoring server;
editing this copy changes nothing except your own understanding.
"""

import jax, jax.numpy as jnp
import numpy as np

SEQ_LEN = 200
VOCAB = 100000
EMBED_DIM = 64
BATCH = 4096

def setup_inputs(seed: int = 0) -> dict:
    key = jax.random.key(seed)
    k1, k2, k3 = jax.random.split(key, 3)
    inputs = jax.random.randint(k1, (BATCH, SEQ_LEN), 0, VOCAB, dtype=jnp.int64 if jax.config.jax_enable_x64 else jnp.int32).astype(jnp.int32)
    token_table = jax.random.normal(k2, (VOCAB, EMBED_DIM), dtype=jnp.float32) * 0.02
    pos_table = jax.random.normal(k3, (SEQ_LEN, EMBED_DIM), dtype=jnp.float32) * 0.02
    return {"inputs": inputs, "token_table": token_table, "pos_table": pos_table}

def reference(inputs, token_table, pos_table):
    length = inputs.shape[-1]
    positions = jnp.arange(0, length)
    embed_scale = jnp.sqrt(jnp.asarray(EMBED_DIM, dtype=jnp.float32))
    embedded_tokens = jnp.take(token_table, inputs, axis=0)
    embedded_tokens = embedded_tokens * embed_scale
    embedded_positions = jnp.take(pos_table, positions, axis=0)
    return embedded_tokens + embedded_positions

if __name__ == "__main__":
    import jax
    _d = setup_inputs()
    print(jax.jit(kernel)(*tuple(_d.values())))

</pallas_src>

<mosaic_0001>
#map = affine_map<(d0, d1) -> (0, 0)>
module attributes {stable_mosaic.version = 14 : i64} {
  func.func @_sc_kernel(%arg0: i32, %arg1: i32, %arg2: memref<6400x128xi32, #tpu.memory_space<hbm>>, %arg3: memref<100000x64xf32, #tpu.memory_space<hbm>>, %arg4: memref<819200x64xf32, #tpu.memory_space<hbm>>, %arg5: memref<200x128xi32, #tpu.memory_space<vmem>>, %arg6: memref<4x128x64xf32, #tpu.memory_space<vmem>>, %arg7: memref<!tpu.dma_semaphore, #tpu.memory_space<semaphore_mem>>, %arg8: memref<!tpu.dma_semaphore, #tpu.memory_space<semaphore_mem>>, %arg9: memref<!tpu.dma_semaphore, #tpu.memory_space<semaphore_mem>>, %arg10: memref<!tpu.dma_semaphore, #tpu.memory_space<semaphore_mem>>, %arg11: memref<!tpu.dma_semaphore, #tpu.memory_space<semaphore_mem>>, %arg12: memref<!tpu.dma_semaphore, #tpu.memory_space<semaphore_mem>>, %arg13: memref<!tpu.dma_semaphore, #tpu.memory_space<semaphore_mem>>, %arg14: memref<!tpu.dma_semaphore, #tpu.memory_space<semaphore_mem>>) attributes {dimension_semantics = [#tpu.dimension_semantics<core_parallel>, #tpu.dimension_semantics<subcore_parallel>], iteration_bounds = array<i64: 2, 16>, scalar_prefetch = 0 : i64, scratch_operands = 10 : i64, tpu.core_type = #tpu.core_type<sc_vector_subcore>, window_params = [{transform_indices = #map}, {transform_indices = #map}, {transform_indices = #map}]} {
    %mul3A = arith.constant 2 : i32
    %mul3A_0 = arith.muli %arg1, %mul3A : i32
    %add3A = arith.addi %mul3A_0, %arg0 : i32
    %mul3A_1 = arith.constant 25600 : i32
    %mul3A_2 = arith.muli %add3A, %mul3A_1 : i32
    %mul3A_3 = arith.constant 200 : i32
    %mul3A_4 = arith.muli %add3A, %mul3A_3 : i32
    "tpu.region"() ({
      %run_scoped3A = tpu.sem_alloc : memref<!tpu.dma_semaphore, #tpu.memory_space<semaphore_mem>>
      %dma_start3A_103 = arith.constant 0 : i32
      %dma_start3A_104 = tpu.memref_slice %arg2[%mul3A_4, %dma_start3A_103] : memref<6400x128xi32, #tpu.memory_space<hbm>> -> memref<200x128xi32, #tpu.memory_space<hbm>>
      %dma_start3A_105 = arith.constant 0 : i32
      %dma_start3A_106 = tpu.memref_slice %arg2[%mul3A_4, %dma_start3A_105] : memref<6400x128xi32, #tpu.memory_space<hbm>> -> memref<200x128xi32, #tpu.memory_space<hbm>>
      tpu.enqueue_dma source(%dma_start3A_106 : memref<200x128xi32, #tpu.memory_space<hbm>>) target(%arg5 : memref<200x128xi32, #tpu.memory_space<vmem>>) target_semaphore(%run_scoped3A : memref<!tpu.dma_semaphore, #tpu.memory_space<semaphore_mem>>)
      %dma_wait3A_107 = arith.constant 0 : i32
      %dma_wait3A_108 = tpu.memref_slice %arg2[%mul3A_4, %dma_wait3A_107] : memref<6400x128xi32, #tpu.memory_space<hbm>> -> memref<200x128xi32, #tpu.memory_space<hbm>>
      %dma_wait3A_109 = arith.constant 0 : i32
      %dma_wait3A_110 = tpu.memref_slice %arg2[%mul3A_4, %dma_wait3A_109] : memref<6400x128xi32, #tpu.memory_space<hbm>> -> memref<200x128xi32, #tpu.memory_space<hbm>>
      tpu.wait_dma2 semaphore(%run_scoped3A : memref<!tpu.dma_semaphore, #tpu.memory_space<semaphore_mem>>) src(%dma_wait3A_110 : memref<200x128xi32, #tpu.memory_space<hbm>>) dst(%arg5 : memref<200x128xi32, #tpu.memory_space<vmem>>)
      tpu.yield
    }) : () -> ()
    %dma_start3A = arith.constant 0 : i32
    %dma_start3A_5 = arith.constant 0 : i32
    %dma_start3A_6 = arith.constant 0 : i32
    %dma_start3A_7 = arith.constant 0 : i32
    %dma_start3A_8 = tpu.memref_slice %arg6[%dma_start3A_5, %dma_start3A_6, %dma_start3A_7] : memref<4x128x64xf32, #tpu.memory_space<vmem>> -> memref<1x128x64xf32, #tpu.memory_space<vmem>>
    %dma_start3A_9 = tpu.memref_squeeze %dma_start3A_8 : memref<1x128x64xf32, #tpu.memory_space<vmem>> -> memref<128x64xf32, #tpu.memory_space<vmem>>
    %dma_start3A_10 = arith.constant 0 : i32
    %dma_start3A_11 = tpu.memref_slice %arg5[%dma_start3A, %dma_start3A_10] : memref<200x128xi32, #tpu.memory_space<vmem>> -> memref<1x128xi32, #tpu.memory_space<vmem>>
    %dma_start3A_12 = tpu.memref_squeeze %dma_start3A_11 : memref<1x128xi32, #tpu.memory_space<vmem>> -> memref<128xi32, #tpu.memory_space<vmem>>
    %dma_start3A_13 = arith.constant 0 : i32
    %dma_start3A_14 = arith.constant 0 : i32
    %dma_start3A_15 = tpu.memref_slice %arg3[%dma_start3A_13, %dma_start3A_14] : memref<100000x64xf32, #tpu.memory_space<hbm>> -> memref<100000x64xf32, #tpu.memory_space<hbm>>
    tpu.enqueue_indirect_dma source(%dma_start3A_15 : memref<100000x64xf32, #tpu.memory_space<hbm>>) target(%dma_start3A_9 : memref<128x64xf32, #tpu.memory_space<vmem>>) offsets(%dma_start3A_12 : memref<128xi32, #tpu.memory_space<vmem>>) semaphore(%arg7 : memref<!tpu.dma_semaphore, #tpu.memory_space<semaphore_mem>>)
    %dma_start3A_16 = arith.constant 1 : i32
    %dma_start3A_17 = arith.constant 1 : i32
    %dma_start3A_18 = arith.constant 0 : i32
    %dma_start3A_19 = arith.constant 0 : i32
    %dma_start3A_20 = tpu.memref_slice %arg6[%dma_start3A_17, %dma_start3A_18, %dma_start3A_19] : memref<4x128x64xf32, #tpu.memory_space<vmem>> -> memref<1x128x64xf32, #tpu.memory_space<vmem>>
    %dma_start3A_21 = tpu.memref_squeeze %dma_start3A_20 : memref<1x128x64xf32, #tpu.memory_space<vmem>> -> memref<128x64xf32, #tpu.memory_space<vmem>>
    %dma_start3A_22 = arith.constant 0 : i32
    %dma_start3A_23 = tpu.memref_slice %arg5[%dma_start3A_16, %dma_start3A_22] : memref<200x128xi32, #tpu.memory_space<vmem>> -> memref<1x128xi32, #tpu.memory_space<vmem>>
    %dma_start3A_24 = tpu.memref_squeeze %dma_start3A_23 : memref<1x128xi32, #tpu.memory_space<vmem>> -> memref<128xi32, #tpu.memory_space<vmem>>
    %dma_start3A_25 = arith.constant 0 : i32
    %dma_start3A_26 = arith.constant 0 : i32
    %dma_start3A_27 = tpu.memref_slice %arg3[%dma_start3A_25, %dma_start3A_26] : memref<100000x64xf32, #tpu.memory_space<hbm>> -> memref<100000x64xf32, #tpu.memory_space<hbm>>
    tpu.enqueue_indirect_dma source(%dma_start3A_27 : memref<100000x64xf32, #tpu.memory_space<hbm>>) target(%dma_start3A_21 : memref<128x64xf32, #tpu.memory_space<vmem>>) offsets(%dma_start3A_24 : memref<128xi32, #tpu.memory_space<vmem>>) semaphore(%arg8 : memref<!tpu.dma_semaphore, #tpu.memory_space<semaphore_mem>>)
    %dma_start3A_28 = arith.constant 2 : i32
    %dma_start3A_29 = arith.constant 2 : i32
    %dma_start3A_30 = arith.constant 0 : i32
    %dma_start3A_31 = arith.constant 0 : i32
    %dma_start3A_32 = tpu.memref_slice %arg6[%dma_start3A_29, %dma_start3A_30, %dma_start3A_31] : memref<4x128x64xf32, #tpu.memory_space<vmem>> -> memref<1x128x64xf32, #tpu.memory_space<vmem>>
    %dma_start3A_33 = tpu.memref_squeeze %dma_start3A_32 : memref<1x128x64xf32, #tpu.memory_space<vmem>> -> memref<128x64xf32, #tpu.memory_space<vmem>>
    %dma_start3A_34 = arith.constant 0 : i32
    %dma_start3A_35 = tpu.memref_slice %arg5[%dma_start3A_28, %dma_start3A_34] : memref<200x128xi32, #tpu.memory_space<vmem>> -> memref<1x128xi32, #tpu.memory_space<vmem>>
    %dma_start3A_36 = tpu.memref_squeeze %dma_start3A_35 : memref<1x128xi32, #tpu.memory_space<vmem>> -> memref<128xi32, #tpu.memory_space<vmem>>
    %dma_start3A_37 = arith.constant 0 : i32
    %dma_start3A_38 = arith.constant 0 : i32
    %dma_start3A_39 = tpu.memref_slice %arg3[%dma_start3A_37, %dma_start3A_38] : memref<100000x64xf32, #tpu.memory_space<hbm>> -> memref<100000x64xf32, #tpu.memory_space<hbm>>
    tpu.enqueue_indirect_dma source(%dma_start3A_39 : memref<100000x64xf32, #tpu.memory_space<hbm>>) target(%dma_start3A_33 : memref<128x64xf32, #tpu.memory_space<vmem>>) offsets(%dma_start3A_36 : memref<128xi32, #tpu.memory_space<vmem>>) semaphore(%arg9 : memref<!tpu.dma_semaphore, #tpu.memory_space<semaphore_mem>>)
    %scan3A = arith.constant 0 : i32
    %scan3A_40 = arith.constant 50 : i32
    %scan3A_41 = arith.addi %scan3A, %scan3A_40 : i32
    %scan3A_42 = arith.constant 1 : i32
    scf.for %scan3A_103 = %scan3A to %scan3A_41 step %scan3A_42  : i32 {
      %mul3A_104 = arith.constant 4 : i32
      %mul3A_105 = arith.muli %scan3A_103, %mul3A_104 : i32
      %add3A_106 = arith.constant 0 : i32
      %add3A_107 = arith.addi %mul3A_105, %add3A_106 : i32
      %dma_wait3A_108 = arith.constant 0 : i32
      %dma_wait3A_109 = arith.constant 0 : i32
      %dma_wait3A_110 = arith.constant 0 : i32
      %dma_wait3A_111 = tpu.memref_slice %arg6[%dma_wait3A_108, %dma_wait3A_109, %dma_wait3A_110] : memref<4x128x64xf32, #tpu.memory_space<vmem>> -> memref<1x128x64xf32, #tpu.memory_space<vmem>>
      %dma_wait3A_112 = tpu.memref_squeeze %dma_wait3A_111 : memref<1x128x64xf32, #tpu.memory_space<vmem>> -> memref<128x64xf32, #tpu.memory_space<vmem>>
      %dma_wait3A_113 = arith.constant 0 : i32
      %dma_wait3A_114 = tpu.memref_slice %arg5[%add3A_107, %dma_wait3A_113] : memref<200x128xi32, #tpu.memory_space<vmem>> -> memref<1x128xi32, #tpu.memory_space<vmem>>
      %dma_wait3A_115 = tpu.memref_squeeze %dma_wait3A_114 : memref<1x128xi32, #tpu.memory_space<vmem>> -> memref<128xi32, #tpu.memory_space<vmem>>
      %dma_wait3A_116 = arith.constant 0 : i32
      %dma_wait3A_117 = arith.constant 0 : i32
      %dma_wait3A_118 = tpu.memref_slice %arg3[%dma_wait3A_116, %dma_wait3A_117] : memref<100000x64xf32, #tpu.memory_space<hbm>> -> memref<100000x64xf32, #tpu.memory_space<hbm>>
      tpu.wait_indirect_dma semaphore(%arg7 : memref<!tpu.dma_semaphore, #tpu.memory_space<semaphore_mem>>) src(%dma_wait3A_118 : memref<100000x64xf32, #tpu.memory_space<hbm>>) dst(%dma_wait3A_112 : memref<128x64xf32, #tpu.memory_space<vmem>>)
      %mul3A_119 = arith.constant 128 : i32
      %mul3A_120 = arith.muli %add3A_107, %mul3A_119 : i32
      %add3A_121 = arith.addi %mul3A_2, %mul3A_120 : i32
      %dma_start3A_122 = arith.constant 0 : i32
      %dma_start3A_123 = arith.constant 0 : i32
      %dma_start3A_124 = arith.constant 0 : i32
      %dma_start3A_125 = tpu.memref_slice %arg6[%dma_start3A_122, %dma_start3A_123, %dma_start3A_124] : memref<4x128x64xf32, #tpu.memory_space<vmem>> -> memref<1x128x64xf32, #tpu.memory_space<vmem>>
      %dma_start3A_126 = tpu.memref_squeeze %dma_start3A_125 : memref<1x128x64xf32, #tpu.memory_space<vmem>> -> memref<128x64xf32, #tpu.memory_space<vmem>>
      %dma_start3A_127 = arith.constant 0 : i32
      %dma_start3A_128 = tpu.memref_slice %arg4[%add3A_121, %dma_start3A_127] : memref<819200x64xf32, #tpu.memory_space<hbm>> -> memref<128x64xf32, #tpu.memory_space<hbm>>
      %dma_start3A_129 = arith.constant 0 : i32
      %dma_start3A_130 = tpu.memref_slice %arg4[%add3A_121, %dma_start3A_129] : memref<819200x64xf32, #tpu.memory_space<hbm>> -> memref<128x64xf32, #tpu.memory_space<hbm>>
      %dma_start3A_131 = arith.constant 0 : i32
      %dma_start3A_132 = arith.constant 0 : i32
      %dma_start3A_133 = tpu.memref_slice %arg6[%dma_start3A_122, %dma_start3A_131, %dma_start3A_132] : memref<4x128x64xf32, #tpu.memory_space<vmem>> -> memref<1x128x64xf32, #tpu.memory_space<vmem>>
      %dma_start3A_134 = tpu.memref_squeeze %dma_start3A_133 : memref<1x128x64xf32, #tpu.memory_space<vmem>> -> memref<128x64xf32, #tpu.memory_space<vmem>>
      tpu.enqueue_dma source(%dma_start3A_134 : memref<128x64xf32, #tpu.memory_space<vmem>>) target(%dma_start3A_130 : memref<128x64xf32, #tpu.memory_space<hbm>>) target_semaphore(%arg11 : memref<!tpu.dma_semaphore, #tpu.memory_space<semaphore_mem>>)
      %add3A_135 = arith.constant 4 : i32
      %add3A_136 = arith.addi %add3A_107, %add3A_135 : i32
      %sub3A = arith.constant 1 : i32
      %sub3A_137 = arith.subi %add3A_136, %sub3A : i32
      %lt3A = arith.constant 200 : i32
      %lt3A_138 = arith.cmpi slt, %sub3A_137, %lt3A : i32
      %convert_element_type3A = arith.extui %lt3A_138 : i1 to i32
      %cond3A = arith.constant 0 : i32
      %cond3A_139 = arith.cmpi ne, %convert_element_type3A, %cond3A : i32
      scf.if %cond3A_139 {
        %ge3A = arith.constant 1 : i32
        %ge3A_254 = arith.cmpi sge, %add3A_107, %ge3A : i32
        %convert_element_type3A_255 = arith.extui %ge3A_254 : i1 to i32
        %cond3A_256 = arith.constant 0 : i32
        %cond3A_257 = arith.cmpi ne, %convert_element_type3A_255, %cond3A_256 : i32
        scf.if %cond3A_257 {
          %sub3A_269 = arith.constant 1 : i32
          %sub3A_270 = arith.subi %add3A_107, %sub3A_269 : i32
          %mul3A_271 = arith.constant 128 : i32
          %mul3A_272 = arith.muli %sub3A_270, %mul3A_271 : i32
          %add3A_273 = arith.addi %mul3A_2, %mul3A_272 : i32
          %dma_wait3A_274 = arith.constant 3 : i32
          %dma_wait3A_275 = arith.constant 0 : i32
          %dma_wait3A_276 = arith.constant 0 : i32
          %dma_wait3A_277 = tpu.memref_slice %arg6[%dma_wait3A_274, %dma_wait3A_275, %dma_wait3A_276] : memref<4x128x64xf32, #tpu.memory_space<vmem>> -> memref<1x128x64xf32, #tpu.memory_space<vmem>>
          %dma_wait3A_278 = tpu.memref_squeeze %dma_wait3A_277 : memref<1x128x64xf32, #tpu.memory_space<vmem>> -> memref<128x64xf32, #tpu.memory_space<vmem>>
          %dma_wait3A_279 = arith.constant 0 : i32
          %dma_wait3A_280 = tpu.memref_slice %arg4[%add3A_273, %dma_wait3A_279] : memref<819200x64xf32, #tpu.memory_space<hbm>> -> memref<128x64xf32, #tpu.memory_space<hbm>>
          %dma_wait3A_281 = arith.constant 0 : i32
          %dma_wait3A_282 = tpu.memref_slice %arg4[%add3A_273, %dma_wait3A_281] : memref<819200x64xf32, #tpu.memory_space<hbm>> -> memref<128x64xf32, #tpu.memory_space<hbm>>
          %dma_wait3A_283 = arith.constant 0 : i32
          %dma_wait3A_284 = arith.constant 0 : i32
          %dma_wait3A_285 = tpu.memref_slice %arg6[%dma_wait3A_274, %dma_wait3A_283, %dma_wait3A_284] : memref<4x128x64xf32, #tpu.memory_space<vmem>> -> memref<1x128x64xf32, #tpu.memory_space<vmem>>
          %dma_wait3A_286 = tpu.memref_squeeze %dma_wait3A_285 : memref<1x128x64xf32, #tpu.memory_space<vmem>> -> memref<128x64xf32, #tpu.memory_space<vmem>>
          tpu.wait_dma2 semaphore(%arg14 : memref<!tpu.dma_semaphore, #tpu.memory_space<semaphore_mem>>) src(%dma_wait3A_286 : memref<128x64xf32, #tpu.memory_space<vmem>>) dst(%dma_wait3A_282 : memref<128x64xf32, #tpu.memory_space<hbm>>)
        } else {
        }
        %dma_start3A_258 = arith.constant 3 : i32
        %dma_start3A_259 = arith.constant 0 : i32
        %dma_start3A_260 = arith.constant 0 : i32
        %dma_start3A_261 = tpu.memref_slice %arg6[%dma_start3A_258, %dma_start3A_259, %dma_start3A_260] : memref<4x128x64xf32, #tpu.memory_space<vmem>> -> memref<1x128x64xf32, #tpu.memory_space<vmem>>
        %dma_start3A_262 = tpu.memref_squeeze %dma_start3A_261 : memref<1x128x64xf32, #tpu.memory_space<vmem>> -> memref<128x64xf32, #tpu.memory_space<vmem>>
        %dma_start3A_263 = arith.constant 0 : i32
        %dma_start3A_264 = tpu.memref_slice %arg5[%sub3A_137, %dma_start3A_263] : memref<200x128xi32, #tpu.memory_space<vmem>> -> memref<1x128xi32, #tpu.memory_space<vmem>>
        %dma_start3A_265 = tpu.memref_squeeze %dma_start3A_264 : memref<1x128xi32, #tpu.memory_space<vmem>> -> memref<128xi32, #tpu.memory_space<vmem>>
        %dma_start3A_266 = arith.constant 0 : i32
        %dma_start3A_267 = arith.constant 0 : i32
        %dma_start3A_268 = tpu.memref_slice %arg3[%dma_start3A_266, %dma_start3A_267] : memref<100000x64xf32, #tpu.memory_space<hbm>> -> memref<100000x64xf32, #tpu.memory_space<hbm>>
        tpu.enqueue_indirect_dma source(%dma_start3A_268 : memref<100000x64xf32, #tpu.memory_space<hbm>>) target(%dma_start3A_262 : memref<128x64xf32, #tpu.memory_space<vmem>>) offsets(%dma_start3A_265 : memref<128xi32, #tpu.memory_space<vmem>>) semaphore(%arg10 : memref<!tpu.dma_semaphore, #tpu.memory_space<semaphore_mem>>)
      } else {
      }
      %add3A_140 = arith.constant 1 : i32
      %add3A_141 = arith.addi %mul3A_105, %add3A_140 : i32
      %dma_wait3A_142 = arith.constant 1 : i32
      %dma_wait3A_143 = arith.constant 0 : i32
      %dma_wait3A_144 = arith.constant 0 : i32
      %dma_wait3A_145 = tpu.memref_slice %arg6[%dma_wait3A_142, %dma_wait3A_143, %dma_wait3A_144] : memref<4x128x64xf32, #tpu.memory_space<vmem>> -> memref<1x128x64xf32, #tpu.memory_space<vmem>>
      %dma_wait3A_146 = tpu.memref_squeeze %dma_wait3A_145 : memref<1x128x64xf32, #tpu.memory_space<vmem>> -> memref<128x64xf32, #tpu.memory_space<vmem>>
      %dma_wait3A_147 = arith.constant 0 : i32
      %dma_wait3A_148 = tpu.memref_slice %arg5[%add3A_141, %dma_wait3A_147] : memref<200x128xi32, #tpu.memory_space<vmem>> -> memref<1x128xi32, #tpu.memory_space<vmem>>
      %dma_wait3A_149 = tpu.memref_squeeze %dma_wait3A_148 : memref<1x128xi32, #tpu.memory_space<vmem>> -> memref<128xi32, #tpu.memory_space<vmem>>
      %dma_wait3A_150 = arith.constant 0 : i32
      %dma_wait3A_151 = arith.constant 0 : i32
      %dma_wait3A_152 = tpu.memref_slice %arg3[%dma_wait3A_150, %dma_wait3A_151] : memref<100000x64xf32, #tpu.memory_space<hbm>> -> memref<100000x64xf32, #tpu.memory_space<hbm>>
      tpu.wait_indirect_dma semaphore(%arg8 : memref<!tpu.dma_semaphore, #tpu.memory_space<semaphore_mem>>) src(%dma_wait3A_152 : memref<100000x64xf32, #tpu.memory_space<hbm>>) dst(%dma_wait3A_146 : memref<128x64xf32, #tpu.memory_space<vmem>>)
      %mul3A_153 = arith.constant 128 : i32
      %mul3A_154 = arith.muli %add3A_141, %mul3A_153 : i32
      %add3A_155 = arith.addi %mul3A_2, %mul3A_154 : i32
      %dma_start3A_156 = arith.constant 1 : i32
      %dma_start3A_157 = arith.constant 0 : i32
      %dma_start3A_158 = arith.constant 0 : i32
      %dma_start3A_159 = tpu.memref_slice %arg6[%dma_start3A_156, %dma_start3A_157, %dma_start3A_158] : memref<4x128x64xf32, #tpu.memory_space<vmem>> -> memref<1x128x64xf32, #tpu.memory_space<vmem>>
      %dma_start3A_160 = tpu.memref_squeeze %dma_start3A_159 : memref<1x128x64xf32, #tpu.memory_space<vmem>> -> memref<128x64xf32, #tpu.memory_space<vmem>>
      %dma_start3A_161 = arith.constant 0 : i32
      %dma_start3A_162 = tpu.memref_slice %arg4[%add3A_155, %dma_start3A_161] : memref<819200x64xf32, #tpu.memory_space<hbm>> -> memref<128x64xf32, #tpu.memory_space<hbm>>
      %dma_start3A_163 = arith.constant 0 : i32
      %dma_start3A_164 = tpu.memref_slice %arg4[%add3A_155, %dma_start3A_163] : memref<819200x64xf32, #tpu.memory_space<hbm>> -> memref<128x64xf32, #tpu.memory_space<hbm>>
      %dma_start3A_165 = arith.constant 0 : i32
      %dma_start3A_166 = arith.constant 0 : i32
      %dma_start3A_167 = tpu.memref_slice %arg6[%dma_start3A_156, %dma_start3A_165, %dma_start3A_166] : memref<4x128x64xf32, #tpu.memory_space<vmem>> -> memref<1x128x64xf32, #tpu.memory_space<vmem>>
      %dma_start3A_168 = tpu.memref_squeeze %dma_start3A_167 : memref<1x128x64xf32, #tpu.memory_space<vmem>> -> memref<128x64xf32, #tpu.memory_space<vmem>>
      tpu.enqueue_dma source(%dma_start3A_168 : memref<128x64xf32, #tpu.memory_space<vmem>>) target(%dma_start3A_164 : memref<128x64xf32, #tpu.memory_space<hbm>>) target_semaphore(%arg12 : memref<!tpu.dma_semaphore, #tpu.memory_space<semaphore_mem>>)
      %add3A_169 = arith.constant 4 : i32
      %add3A_170 = arith.addi %add3A_141, %add3A_169 : i32
      %sub3A_171 = arith.constant 1 : i32
      %sub3A_172 = arith.subi %add3A_170, %sub3A_171 : i32
      %lt3A_173 = arith.constant 200 : i32
      %lt3A_174 = arith.cmpi slt, %sub3A_172, %lt3A_173 : i32
      %convert_element_type3A_175 = arith.extui %lt3A_174 : i1 to i32
      %cond3A_176 = arith.constant 0 : i32
      %cond3A_177 = arith.cmpi ne, %convert_element_type3A_175, %cond3A_176 : i32
      scf.if %cond3A_177 {
        %ge3A = arith.constant 1 : i32
        %ge3A_254 = arith.cmpi sge, %add3A_141, %ge3A : i32
        %convert_element_type3A_255 = arith.extui %ge3A_254 : i1 to i32
        %cond3A_256 = arith.constant 0 : i32
        %cond3A_257 = arith.cmpi ne, %convert_element_type3A_255, %cond3A_256 : i32
        scf.if %cond3A_257 {
          %sub3A_269 = arith.constant 1 : i32
          %sub3A_270 = arith.subi %add3A_141, %sub3A_269 : i32
          %mul3A_271 = arith.constant 128 : i32
          %mul3A_272 = arith.muli %sub3A_270, %mul3A_271 : i32
          %add3A_273 = arith.addi %mul3A_2, %mul3A_272 : i32
          %dma_wait3A_274 = arith.constant 0 : i32
          %dma_wait3A_275 = arith.constant 0 : i32
          %dma_wait3A_276 = arith.constant 0 : i32
          %dma_wait3A_277 = tpu.memref_slice %arg6[%dma_wait3A_274, %dma_wait3A_275, %dma_wait3A_276] : memref<4x128x64xf32, #tpu.memory_space<vmem>> -> memref<1x128x64xf32, #tpu.memory_space<vmem>>
          %dma_wait3A_278 = tpu.memref_squeeze %dma_wait3A_277 : memref<1x128x64xf32, #tpu.memory_space<vmem>> -> memref<128x64xf32, #tpu.memory_space<vmem>>
          %dma_wait3A_279 = arith.constant 0 : i32
          %dma_wait3A_280 = tpu.memref_slice %arg4[%add3A_273, %dma_wait3A_279] : memref<819200x64xf32, #tpu.memory_space<hbm>> -> memref<128x64xf32, #tpu.memory_space<hbm>>
          %dma_wait3A_281 = arith.constant 0 : i32
          %dma_wait3A_282 = tpu.memref_slice %arg4[%add3A_273, %dma_wait3A_281] : memref<819200x64xf32, #tpu.memory_space<hbm>> -> memref<128x64xf32, #tpu.memory_space<hbm>>
          %dma_wait3A_283 = arith.constant 0 : i32
          %dma_wait3A_284 = arith.constant 0 : i32
          %dma_wait3A_285 = tpu.memref_slice %arg6[%dma_wait3A_274, %dma_wait3A_283, %dma_wait3A_284] : memref<4x128x64xf32, #tpu.memory_space<vmem>> -> memref<1x128x64xf32, #tpu.memory_space<vmem>>
          %dma_wait3A_286 = tpu.memref_squeeze %dma_wait3A_285 : memref<1x128x64xf32, #tpu.memory_space<vmem>> -> memref<128x64xf32, #tpu.memory_space<vmem>>
          tpu.wait_dma2 semaphore(%arg11 : memref<!tpu.dma_semaphore, #tpu.memory_space<semaphore_mem>>) src(%dma_wait3A_286 : memref<128x64xf32, #tpu.memory_space<vmem>>) dst(%dma_wait3A_282 : memref<128x64xf32, #tpu.memory_space<hbm>>)
        } else {
        }
        %dma_start3A_258 = arith.constant 0 : i32
        %dma_start3A_259 = arith.constant 0 : i32
        %dma_start3A_260 = arith.constant 0 : i32
        %dma_start3A_261 = tpu.memref_slice %arg6[%dma_start3A_258, %dma_start3A_259, %dma_start3A_260] : memref<4x128x64xf32, #tpu.memory_space<vmem>> -> memref<1x128x64xf32, #tpu.memory_space<vmem>>
        %dma_start3A_262 = tpu.memref_squeeze %dma_start3A_261 : memref<1x128x64xf32, #tpu.memory_space<vmem>> -> memref<128x64xf32, #tpu.memory_space<vmem>>
        %dma_start3A_263 = arith.constant 0 : i32
        %dma_start3A_264 = tpu.memref_slice %arg5[%sub3A_172, %dma_start3A_263] : memref<200x128xi32, #tpu.memory_space<vmem>> -> memref<1x128xi32, #tpu.memory_space<vmem>>
        %dma_start3A_265 = tpu.memref_squeeze %dma_start3A_264 : memref<1x128xi32, #tpu.memory_space<vmem>> -> memref<128xi32, #tpu.memory_space<vmem>>
        %dma_start3A_266 = arith.constant 0 : i32
        %dma_start3A_267 = arith.constant 0 : i32
        %dma_start3A_268 = tpu.memref_slice %arg3[%dma_start3A_266, %dma_start3A_267] : memref<100000x64xf32, #tpu.memory_space<hbm>> -> memref<100000x64xf32, #tpu.memory_space<hbm>>
        tpu.enqueue_indirect_dma source(%dma_start3A_268 : memref<100000x64xf32, #tpu.memory_space<hbm>>) target(%dma_start3A_262 : memref<128x64xf32, #tpu.memory_space<vmem>>) offsets(%dma_start3A_265 : memref<128xi32, #tpu.memory_space<vmem>>) semaphore(%arg7 : memref<!tpu.dma_semaphore, #tpu.memory_space<semaphore_mem>>)
      } else {
      }
      %add3A_178 = arith.constant 2 : i32
      %add3A_179 = arith.addi %mul3A_105, %add3A_178 : i32
      %dma_wait3A_180 = arith.constant 2 : i32
      %dma_wait3A_181 = arith.constant 0 : i32
      %dma_wait3A_182 = arith.constant 0 : i32
      %dma_wait3A_183 = tpu.memref_slice %arg6[%dma_wait3A_180, %dma_wait3A_181, %dma_wait3A_182] : memref<4x128x64xf32, #tpu.memory_space<vmem>> -> memref<1x128x64xf32, #tpu.memory_space<vmem>>
      %dma_wait3A_184 = tpu.memref_squeeze %dma_wait3A_183 : memref<1x128x64xf32, #tpu.memory_space<vmem>> -> memref<128x64xf32, #tpu.memory_space<vmem>>
      %dma_wait3A_185 = arith.constant 0 : i32
      %dma_wait3A_186 = tpu.memref_slice %arg5[%add3A_179, %dma_wait3A_185] : memref<200x128xi32, #tpu.memory_space<vmem>> -> memref<1x128xi32, #tpu.memory_space<vmem>>
      %dma_wait3A_187 = tpu.memref_squeeze %dma_wait3A_186 : memref<1x128xi32, #tpu.memory_space<vmem>> -> memref<128xi32, #tpu.memory_space<vmem>>
      %dma_wait3A_188 = arith.constant 0 : i32
      %dma_wait3A_189 = arith.constant 0 : i32
      %dma_wait3A_190 = tpu.memref_slice %arg3[%dma_wait3A_188, %dma_wait3A_189] : memref<100000x64xf32, #tpu.memory_space<hbm>> -> memref<100000x64xf32, #tpu.memory_space<hbm>>
      tpu.wait_indirect_dma semaphore(%arg9 : memref<!tpu.dma_semaphore, #tpu.memory_space<semaphore_mem>>) src(%dma_wait3A_190 : memref<100000x64xf32, #tpu.memory_space<hbm>>) dst(%dma_wait3A_184 : memref<128x64xf32, #tpu.memory_space<vmem>>)
      %mul3A_191 = arith.constant 128 : i32
      %mul3A_192 = arith.muli %add3A_179, %mul3A_191 : i32
      %add3A_193 = arith.addi %mul3A_2, %mul3A_192 : i32
      %dma_start3A_194 = arith.constant 2 : i32
      %dma_start3A_195 = arith.constant 0 : i32
      %dma_start3A_196 = arith.constant 0 : i32
      %dma_start3A_197 = tpu.memref_slice %arg6[%dma_start3A_194, %dma_start3A_195, %dma_start3A_196] : memref<4x128x64xf32, #tpu.memory_space<vmem>> -> memref<1x128x64xf32, #tpu.memory_space<vmem>>
      %dma_start3A_198 = tpu.memref_squeeze %dma_start3A_197 : memref<1x128x64xf32, #tpu.memory_space<vmem>> -> memref<128x64xf32, #tpu.memory_space<vmem>>
      %dma_start3A_199 = arith.constant 0 : i32
      %dma_start3A_200 = tpu.memref_slice %arg4[%add3A_193, %dma_start3A_199] : memref<819200x64xf32, #tpu.memory_space<hbm>> -> memref<128x64xf32, #tpu.memory_space<hbm>>
      %dma_start3A_201 = arith.constant 0 : i32
      %dma_start3A_202 = tpu.memref_slice %arg4[%add3A_193, %dma_start3A_201] : memref<819200x64xf32, #tpu.memory_space<hbm>> -> memref<128x64xf32, #tpu.memory_space<hbm>>
      %dma_start3A_203 = arith.constant 0 : i32
      %dma_start3A_204 = arith.constant 0 : i32
      %dma_start3A_205 = tpu.memref_slice %arg6[%dma_start3A_194, %dma_start3A_203, %dma_start3A_204] : memref<4x128x64xf32, #tpu.memory_space<vmem>> -> memref<1x128x64xf32, #tpu.memory_space<vmem>>
      %dma_start3A_206 = tpu.memref_squeeze %dma_start3A_205 : memref<1x128x64xf32, #tpu.memory_space<vmem>> -> memref<128x64xf32, #tpu.memory_space<vmem>>
      tpu.enqueue_dma source(%dma_start3A_206 : memref<128x64xf32, #tpu.memory_space<vmem>>) target(%dma_start3A_202 : memref<128x64xf32, #tpu.memory_space<hbm>>) target_semaphore(%arg13 : memref<!tpu.dma_semaphore, #tpu.memory_space<semaphore_mem>>)
      %add3A_207 = arith.constant 4 : i32
      %add3A_208 = arith.addi %add3A_179, %add3A_207 : i32
      %sub3A_209 = arith.constant 1 : i32
      %sub3A_210 = arith.subi %add3A_208, %sub3A_209 : i32
      %lt3A_211 = arith.constant 200 : i32
      %lt3A_212 = arith.cmpi slt, %sub3A_210, %lt3A_211 : i32
      %convert_element_type3A_213 = arith.extui %lt3A_212 : i1 to i32
      %cond3A_214 = arith.constant 0 : i32
      %cond3A_215 = arith.cmpi ne, %convert_element_type3A_213, %cond3A_214 : i32
      scf.if %cond3A_215 {
        %ge3A = arith.constant 1 : i32
        %ge3A_254 = arith.cmpi sge, %add3A_179, %ge3A : i32
        %convert_element_type3A_255 = arith.extui %ge3A_254 : i1 to i32
        %cond3A_256 = arith.constant 0 : i32
        %cond3A_257 = arith.cmpi ne, %convert_element_type3A_255, %cond3A_256 : i32
        scf.if %cond3A_257 {
          %sub3A_269 = arith.constant 1 : i32
          %sub3A_270 = arith.subi %add3A_179, %sub3A_269 : i32
          %mul3A_271 = arith.constant 128 : i32
          %mul3A_272 = arith.muli %sub3A_270, %mul3A_271 : i32
          %add3A_273 = arith.addi %mul3A_2, %mul3A_272 : i32
          %dma_wait3A_274 = arith.constant 1 : i32
          %dma_wait3A_275 = arith.constant 0 : i32
          %dma_wait3A_276 = arith.constant 0 : i32
          %dma_wait3A_277 = tpu.memref_slice %arg6[%dma_wait3A_274, %dma_wait3A_275, %dma_wait3A_276] : memref<4x128x64xf32, #tpu.memory_space<vmem>> -> memref<1x128x64xf32, #tpu.memory_space<vmem>>
          %dma_wait3A_278 = tpu.memref_squeeze %dma_wait3A_277 : memref<1x128x64xf32, #tpu.memory_space<vmem>> -> memref<128x64xf32, #tpu.memory_space<vmem>>
          %dma_wait3A_279 = arith.constant 0 : i32
          %dma_wait3A_280 = tpu.memref_slice %arg4[%add3A_273, %dma_wait3A_279] : memref<819200x64xf32, #tpu.memory_space<hbm>> -> memref<128x64xf32, #tpu.memory_space<hbm>>
          %dma_wait3A_281 = arith.constant 0 : i32
          %dma_wait3A_282 = tpu.memref_slice %arg4[%add3A_273, %dma_wait3A_281] : memref<819200x64xf32, #tpu.memory_space<hbm>> -> memref<128x64xf32, #tpu.memory_space<hbm>>
          %dma_wait3A_283 = arith.constant 0 : i32
          %dma_wait3A_284 = arith.constant 0 : i32
          %dma_wait3A_285 = tpu.memref_slice %arg6[%dma_wait3A_274, %dma_wait3A_283, %dma_wait3A_284] : memref<4x128x64xf32, #tpu.memory_space<vmem>> -> memref<1x128x64xf32, #tpu.memory_space<vmem>>
          %dma_wait3A_286 = tpu.memref_squeeze %dma_wait3A_285 : memref<1x128x64xf32, #tpu.memory_space<vmem>> -> memref<128x64xf32, #tpu.memory_space<vmem>>
          tpu.wait_dma2 semaphore(%arg12 : memref<!tpu.dma_semaphore, #tpu.memory_space<semaphore_mem>>) src(%dma_wait3A_286 : memref<128x64xf32, #tpu.memory_space<vmem>>) dst(%dma_wait3A_282 : memref<128x64xf32, #tpu.memory_space<hbm>>)
        } else {
        }
        %dma_start3A_258 = arith.constant 1 : i32
        %dma_start3A_259 = arith.constant 0 : i32
        %dma_start3A_260 = arith.constant 0 : i32
        %dma_start3A_261 = tpu.memref_slice %arg6[%dma_start3A_258, %dma_start3A_259, %dma_start3A_260] : memref<4x128x64xf32, #tpu.memory_space<vmem>> -> memref<1x128x64xf32, #tpu.memory_space<vmem>>
        %dma_start3A_262 = tpu.memref_squeeze %dma_start3A_261 : memref<1x128x64xf32, #tpu.memory_space<vmem>> -> memref<128x64xf32, #tpu.memory_space<vmem>>
        %dma_start3A_263 = arith.constant 0 : i32
        %dma_start3A_264 = tpu.memref_slice %arg5[%sub3A_210, %dma_start3A_263] : memref<200x128xi32, #tpu.memory_space<vmem>> -> memref<1x128xi32, #tpu.memory_space<vmem>>
        %dma_start3A_265 = tpu.memref_squeeze %dma_start3A_264 : memref<1x128xi32, #tpu.memory_space<vmem>> -> memref<128xi32, #tpu.memory_space<vmem>>
        %dma_start3A_266 = arith.constant 0 : i32
        %dma_start3A_267 = arith.constant 0 : i32
        %dma_start3A_268 = tpu.memref_slice %arg3[%dma_start3A_266, %dma_start3A_267] : memref<100000x64xf32, #tpu.memory_space<hbm>> -> memref<100000x64xf32, #tpu.memory_space<hbm>>
        tpu.enqueue_indirect_dma source(%dma_start3A_268 : memref<100000x64xf32, #tpu.memory_space<hbm>>) target(%dma_start3A_262 : memref<128x64xf32, #tpu.memory_space<vmem>>) offsets(%dma_start3A_265 : memref<128xi32, #tpu.memory_space<vmem>>) semaphore(%arg8 : memref<!tpu.dma_semaphore, #tpu.memory_space<semaphore_mem>>)
      } else {
      }
      %add3A_216 = arith.constant 3 : i32
      %add3A_217 = arith.addi %mul3A_105, %add3A_216 : i32
      %dma_wait3A_218 = arith.constant 3 : i32
      %dma_wait3A_219 = arith.constant 0 : i32
      %dma_wait3A_220 = arith.constant 0 : i32
      %dma_wait3A_221 = tpu.memref_slice %arg6[%dma_wait3A_218, %dma_wait3A_219, %dma_wait3A_220] : memref<4x128x64xf32, #tpu.memory_space<vmem>> -> memref<1x128x64xf32, #tpu.memory_space<vmem>>
      %dma_wait3A_222 = tpu.memref_squeeze %dma_wait3A_221 : memref<1x128x64xf32, #tpu.memory_space<vmem>> -> memref<128x64xf32, #tpu.memory_space<vmem>>
      %dma_wait3A_223 = arith.constant 0 : i32
      %dma_wait3A_224 = tpu.memref_slice %arg5[%add3A_217, %dma_wait3A_223] : memref<200x128xi32, #tpu.memory_space<vmem>> -> memref<1x128xi32, #tpu.memory_space<vmem>>
      %dma_wait3A_225 = tpu.memref_squeeze %dma_wait3A_224 : memref<1x128xi32, #tpu.memory_space<vmem>> -> memref<128xi32, #tpu.memory_space<vmem>>
      %dma_wait3A_226 = arith.constant 0 : i32
      %dma_wait3A_227 = arith.constant 0 : i32
      %dma_wait3A_228 = tpu.memref_slice %arg3[%dma_wait3A_226, %dma_wait3A_227] : memref<100000x64xf32, #tpu.memory_space<hbm>> -> memref<100000x64xf32, #tpu.memory_space<hbm>>
      tpu.wait_indirect_dma semaphore(%arg10 : memref<!tpu.dma_semaphore, #tpu.memory_space<semaphore_mem>>) src(%dma_wait3A_228 : memref<100000x64xf32, #tpu.memory_space<hbm>>) dst(%dma_wait3A_222 : memref<128x64xf32, #tpu.memory_space<vmem>>)
      %mul3A_229 = arith.constant 128 : i32
      %mul3A_230 = arith.muli %add3A_217, %mul3A_229 : i32
      %add3A_231 = arith.addi %mul3A_2, %mul3A_230 : i32
      %dma_start3A_232 = arith.constant 3 : i32
      %dma_start3A_233 = arith.constant 0 : i32
      %dma_start3A_234 = arith.constant 0 : i32
      %dma_start3A_235 = tpu.memref_slice %arg6[%dma_start3A_232, %dma_start3A_233, %dma_start3A_234] : memref<4x128x64xf32, #tpu.memory_space<vmem>> -> memref<1x128x64xf32, #tpu.memory_space<vmem>>
      %dma_start3A_236 = tpu.memref_squeeze %dma_start3A_235 : memref<1x128x64xf32, #tpu.memory_space<vmem>> -> memref<128x64xf32, #tpu.memory_space<vmem>>
      %dma_start3A_237 = arith.constant 0 : i32
      %dma_start3A_238 = tpu.memref_slice %arg4[%add3A_231, %dma_start3A_237] : memref<819200x64xf32, #tpu.memory_space<hbm>> -> memref<128x64xf32, #tpu.memory_space<hbm>>
      %dma_start3A_239 = arith.constant 0 : i32
      %dma_start3A_240 = tpu.memref_slice %arg4[%add3A_231, %dma_start3A_239] : memref<819200x64xf32, #tpu.memory_space<hbm>> -> memref<128x64xf32, #tpu.memory_space<hbm>>
      %dma_start3A_241 = arith.constant 0 : i32
      %dma_start3A_242 = arith.constant 0 : i32
      %dma_start3A_243 = tpu.memref_slice %arg6[%dma_start3A_232, %dma_start3A_241, %dma_start3A_242] : memref<4x128x64xf32, #tpu.memory_space<vmem>> -> memref<1x128x64xf32, #tpu.memory_space<vmem>>
      %dma_start3A_244 = tpu.memref_squeeze %dma_start3A_243 : memref<1x128x64xf32, #tpu.memory_space<vmem>> -> memref<128x64xf32, #tpu.memory_space<vmem>>
      tpu.enqueue_dma source(%dma_start3A_244 : memref<128x64xf32, #tpu.memory_space<vmem>>) target(%dma_start3A_240 : memref<128x64xf32, #tpu.memory_space<hbm>>) target_semaphore(%arg14 : memref<!tpu.dma_semaphore, #tpu.memory_space<semaphore_mem>>)
      %add3A_245 = arith.constant 4 : i32
      %add3A_246 = arith.addi %add3A_217, %add3A_245 : i32
      %sub3A_247 = arith.constant 1 : i32
      %sub3A_248 = arith.subi %add3A_246, %sub3A_247 : i32
      %lt3A_249 = arith.constant 200 : i32
      %lt3A_250 = arith.cmpi slt, %sub3A_248, %lt3A_249 : i32
      %convert_element_type3A_251 = arith.extui %lt3A_250 : i1 to i32
      %cond3A_252 = arith.constant 0 : i32
      %cond3A_253 = arith.cmpi ne, %convert_element_type3A_251, %cond3A_252 : i32
      scf.if %cond3A_253 {
        %ge3A = arith.constant 1 : i32
        %ge3A_254 = arith.cmpi sge, %add3A_217, %ge3A : i32
        %convert_element_type3A_255 = arith.extui %ge3A_254 : i1 to i32
        %cond3A_256 = arith.constant 0 : i32
        %cond3A_257 = arith.cmpi ne, %convert_element_type3A_255, %cond3A_256 : i32
        scf.if %cond3A_257 {
          %sub3A_269 = arith.constant 1 : i32
          %sub3A_270 = arith.subi %add3A_217, %sub3A_269 : i32
          %mul3A_271 = arith.constant 128 : i32
          %mul3A_272 = arith.muli %sub3A_270, %mul3A_271 : i32
          %add3A_273 = arith.addi %mul3A_2, %mul3A_272 : i32
          %dma_wait3A_274 = arith.constant 2 : i32
          %dma_wait3A_275 = arith.constant 0 : i32
          %dma_wait3A_276 = arith.constant 0 : i32
          %dma_wait3A_277 = tpu.memref_slice %arg6[%dma_wait3A_274, %dma_wait3A_275, %dma_wait3A_276] : memref<4x128x64xf32, #tpu.memory_space<vmem>> -> memref<1x128x64xf32, #tpu.memory_space<vmem>>
          %dma_wait3A_278 = tpu.memref_squeeze %dma_wait3A_277 : memref<1x128x64xf32, #tpu.memory_space<vmem>> -> memref<128x64xf32, #tpu.memory_space<vmem>>
          %dma_wait3A_279 = arith.constant 0 : i32
          %dma_wait3A_280 = tpu.memref_slice %arg4[%add3A_273, %dma_wait3A_279] : memref<819200x64xf32, #tpu.memory_space<hbm>> -> memref<128x64xf32, #tpu.memory_space<hbm>>
          %dma_wait3A_281 = arith.constant 0 : i32
          %dma_wait3A_282 = tpu.memref_slice %arg4[%add3A_273, %dma_wait3A_281] : memref<819200x64xf32, #tpu.memory_space<hbm>> -> memref<128x64xf32, #tpu.memory_space<hbm>>
          %dma_wait3A_283 = arith.constant 0 : i32
          %dma_wait3A_284 = arith.constant 0 : i32
          %dma_wait3A_285 = tpu.memref_slice %arg6[%dma_wait3A_274, %dma_wait3A_283, %dma_wait3A_284] : memref<4x128x64xf32, #tpu.memory_space<vmem>> -> memref<1x128x64xf32, #tpu.memory_space<vmem>>
          %dma_wait3A_286 = tpu.memref_squeeze %dma_wait3A_285 : memref<1x128x64xf32, #tpu.memory_space<vmem>> -> memref<128x64xf32, #tpu.memory_space<vmem>>
          tpu.wait_dma2 semaphore(%arg13 : memref<!tpu.dma_semaphore, #tpu.memory_space<semaphore_mem>>) src(%dma_wait3A_286 : memref<128x64xf32, #tpu.memory_space<vmem>>) dst(%dma_wait3A_282 : memref<128x64xf32, #tpu.memory_space<hbm>>)
        } else {
        }
        %dma_start3A_258 = arith.constant 2 : i32
        %dma_start3A_259 = arith.constant 0 : i32
        %dma_start3A_260 = arith.constant 0 : i32
        %dma_start3A_261 = tpu.memref_slice %arg6[%dma_start3A_258, %dma_start3A_259, %dma_start3A_260] : memref<4x128x64xf32, #tpu.memory_space<vmem>> -> memref<1x128x64xf32, #tpu.memory_space<vmem>>
        %dma_start3A_262 = tpu.memref_squeeze %dma_start3A_261 : memref<1x128x64xf32, #tpu.memory_space<vmem>> -> memref<128x64xf32, #tpu.memory_space<vmem>>
        %dma_start3A_263 = arith.constant 0 : i32
        %dma_start3A_264 = tpu.memref_slice %arg5[%sub3A_248, %dma_start3A_263] : memref<200x128xi32, #tpu.memory_space<vmem>> -> memref<1x128xi32, #tpu.memory_space<vmem>>
        %dma_start3A_265 = tpu.memref_squeeze %dma_start3A_264 : memref<1x128xi32, #tpu.memory_space<vmem>> -> memref<128xi32, #tpu.memory_space<vmem>>
        %dma_start3A_266 = arith.constant 0 : i32
        %dma_start3A_267 = arith.constant 0 : i32
        %dma_start3A_268 = tpu.memref_slice %arg3[%dma_start3A_266, %dma_start3A_267] : memref<100000x64xf32, #tpu.memory_space<hbm>> -> memref<100000x64xf32, #tpu.memory_space<hbm>>
        tpu.enqueue_indirect_dma source(%dma_start3A_268 : memref<100000x64xf32, #tpu.memory_space<hbm>>) target(%dma_start3A_262 : memref<128x64xf32, #tpu.memory_space<vmem>>) offsets(%dma_start3A_265 : memref<128xi32, #tpu.memory_space<vmem>>) semaphore(%arg9 : memref<!tpu.dma_semaphore, #tpu.memory_space<semaphore_mem>>)
      } else {
      }
    }
    %scan3A_43 = arith.constant 50 : i32
    %add3A_44 = arith.constant 25088 : i32
    %add3A_45 = arith.addi %mul3A_2, %add3A_44 : i32
    %dma_wait3A = arith.constant 0 : i32
    %dma_wait3A_46 = arith.constant 0 : i32
    %dma_wait3A_47 = arith.constant 0 : i32
    %dma_wait3A_48 = tpu.memref_slice %arg6[%dma_wait3A, %dma_wait3A_46, %dma_wait3A_47] : memref<4x128x64xf32, #tpu.memory_space<vmem>> -> memref<1x128x64xf32, #tpu.memory_space<vmem>>
    %dma_wait3A_49 = tpu.memref_squeeze %dma_wait3A_48 : memref<1x128x64xf32, #tpu.memory_space<vmem>> -> memref<128x64xf32, #tpu.memory_space<vmem>>
    %dma_wait3A_50 = arith.constant 0 : i32
    %dma_wait3A_51 = tpu.memref_slice %arg4[%add3A_45, %dma_wait3A_50] : memref<819200x64xf32, #tpu.memory_space<hbm>> -> memref<128x64xf32, #tpu.memory_space<hbm>>
    %dma_wait3A_52 = arith.constant 0 : i32
    %dma_wait3A_53 = tpu.memref_slice %arg4[%add3A_45, %dma_wait3A_52] : memref<819200x64xf32, #tpu.memory_space<hbm>> -> memref<128x64xf32, #tpu.memory_space<hbm>>
    %dma_wait3A_54 = arith.constant 0 : i32
    %dma_wait3A_55 = arith.constant 0 : i32
    %dma_wait3A_56 = tpu.memref_slice %arg6[%dma_wait3A, %dma_wait3A_54, %dma_wait3A_55] : memref<4x128x64xf32, #tpu.memory_space<vmem>> -> memref<1x128x64xf32, #tpu.memory_space<vmem>>
    %dma_wait3A_57 = tpu.memref_squeeze %dma_wait3A_56 : memref<1x128x64xf32, #tpu.memory_space<vmem>> -> memref<128x64xf32, #tpu.memory_space<vmem>>
    tpu.wait_dma2 semaphore(%arg11 : memref<!tpu.dma_semaphore, #tpu.memory_space<semaphore_mem>>) src(%dma_wait3A_57 : memref<128x64xf32, #tpu.memory_space<vmem>>) dst(%dma_wait3A_53 : memref<128x64xf32, #tpu.memory_space<hbm>>)
    %add3A_58 = arith.constant 25216 : i32
    %add3A_59 = arith.addi %mul3A_2, %add3A_58 : i32
    %dma_wait3A_60 = arith.constant 1 : i32
    %dma_wait3A_61 = arith.constant 0 : i32
    %dma_wait3A_62 = arith.constant 0 : i32
    %dma_wait3A_63 = tpu.memref_slice %arg6[%dma_wait3A_60, %dma_wait3A_61, %dma_wait3A_62] : memref<4x128x64xf32, #tpu.memory_space<vmem>> -> memref<1x128x64xf32, #tpu.memory_space<vmem>>
    %dma_wait3A_64 = tpu.memref_squeeze %dma_wait3A_63 : memref<1x128x64xf32, #tpu.memory_space<vmem>> -> memref<128x64xf32, #tpu.memory_space<vmem>>
    %dma_wait3A_65 = arith.constant 0 : i32
    %dma_wait3A_66 = tpu.memref_slice %arg4[%add3A_59, %dma_wait3A_65] : memref<819200x64xf32, #tpu.memory_space<hbm>> -> memref<128x64xf32, #tpu.memory_space<hbm>>
    %dma_wait3A_67 = arith.constant 0 : i32
    %dma_wait3A_68 = tpu.memref_slice %arg4[%add3A_59, %dma_wait3A_67] : memref<819200x64xf32, #tpu.memory_space<hbm>> -> memref<128x64xf32, #tpu.memory_space<hbm>>
    %dma_wait3A_69 = arith.constant 0 : i32
    %dma_wait3A_70 = arith.constant 0 : i32
    %dma_wait3A_71 = tpu.memref_slice %arg6[%dma_wait3A_60, %dma_wait3A_69, %dma_wait3A_70] : memref<4x128x64xf32, #tpu.memory_space<vmem>> -> memref<1x128x64xf32, #tpu.memory_space<vmem>>
    %dma_wait3A_72 = tpu.memref_squeeze %dma_wait3A_71 : memref<1x128x64xf32, #tpu.memory_space<vmem>> -> memref<128x64xf32, #tpu.memory_space<vmem>>
    tpu.wait_dma2 semaphore(%arg12 : memref<!tpu.dma_semaphore, #tpu.memory_space<semaphore_mem>>) src(%dma_wait3A_72 : memref<128x64xf32, #tpu.memory_space<vmem>>) dst(%dma_wait3A_68 : memref<128x64xf32, #tpu.memory_space<hbm>>)
    %add3A_73 = arith.constant 25344 : i32
    %add3A_74 = arith.addi %mul3A_2, %add3A_73 : i32
    %dma_wait3A_75 = arith.constant 2 : i32
    %dma_wait3A_76 = arith.constant 0 : i32
    %dma_wait3A_77 = arith.constant 0 : i32
    %dma_wait3A_78 = tpu.memref_slice %arg6[%dma_wait3A_75, %dma_wait3A_76, %dma_wait3A_77] : memref<4x128x64xf32, #tpu.memory_space<vmem>> -> memref<1x128x64xf32, #tpu.memory_space<vmem>>
    %dma_wait3A_79 = tpu.memref_squeeze %dma_wait3A_78 : memref<1x128x64xf32, #tpu.memory_space<vmem>> -> memref<128x64xf32, #tpu.memory_space<vmem>>
    %dma_wait3A_80 = arith.constant 0 : i32
    %dma_wait3A_81 = tpu.memref_slice %arg4[%add3A_74, %dma_wait3A_80] : memref<819200x64xf32, #tpu.memory_space<hbm>> -> memref<128x64xf32, #tpu.memory_space<hbm>>
    %dma_wait3A_82 = arith.constant 0 : i32
    %dma_wait3A_83 = tpu.memref_slice %arg4[%add3A_74, %dma_wait3A_82] : memref<819200x64xf32, #tpu.memory_space<hbm>> -> memref<128x64xf32, #tpu.memory_space<hbm>>
    %dma_wait3A_84 = arith.constant 0 : i32
    %dma_wait3A_85 = arith.constant 0 : i32
    %dma_wait3A_86 = tpu.memref_slice %arg6[%dma_wait3A_75, %dma_wait3A_84, %dma_wait3A_85] : memref<4x128x64xf32, #tpu.memory_space<vmem>> -> memref<1x128x64xf32, #tpu.memory_space<vmem>>
    %dma_wait3A_87 = tpu.memref_squeeze %dma_wait3A_86 : memref<1x128x64xf32, #tpu.memory_space<vmem>> -> memref<128x64xf32, #tpu.memory_space<vmem>>
    tpu.wait_dma2 semaphore(%arg13 : memref<!tpu.dma_semaphore, #tpu.memory_space<semaphore_mem>>) src(%dma_wait3A_87 : memref<128x64xf32, #tpu.memory_space<vmem>>) dst(%dma_wait3A_83 : memref<128x64xf32, #tpu.memory_space<hbm>>)
    %add3A_88 = arith.constant 25472 : i32
    %add3A_89 = arith.addi %mul3A_2, %add3A_88 : i32
    %dma_wait3A_90 = arith.constant 3 : i32
    %dma_wait3A_91 = arith.constant 0 : i32
    %dma_wait3A_92 = arith.constant 0 : i32
    %dma_wait3A_93 = tpu.memref_slice %arg6[%dma_wait3A_90, %dma_wait3A_91, %dma_wait3A_92] : memref<4x128x64xf32, #tpu.memory_space<vmem>> -> memref<1x128x64xf32, #tpu.memory_space<vmem>>
    %dma_wait3A_94 = tpu.memref_squeeze %dma_wait3A_93 : memref<1x128x64xf32, #tpu.memory_space<vmem>> -> memref<128x64xf32, #tpu.memory_space<vmem>>
    %dma_wait3A_95 = arith.constant 0 : i32
    %dma_wait3A_96 = tpu.memref_slice %arg4[%add3A_89, %dma_wait3A_95] : memref<819200x64xf32, #tpu.memory_space<hbm>> -> memref<128x64xf32, #tpu.memory_space<hbm>>
    %dma_wait3A_97 = arith.constant 0 : i32
    %dma_wait3A_98 = tpu.memref_slice %arg4[%add3A_89, %dma_wait3A_97] : memref<819200x64xf32, #tpu.memory_space<hbm>> -> memref<128x64xf32, #tpu.memory_space<hbm>>
    %dma_wait3A_99 = arith.constant 0 : i32
    %dma_wait3A_100 = arith.constant 0 : i32
    %dma_wait3A_101 = tpu.memref_slice %arg6[%dma_wait3A_90, %dma_wait3A_99, %dma_wait3A_100] : memref<4x128x64xf32, #tpu.memory_space<vmem>> -> memref<1x128x64xf32, #tpu.memory_space<vmem>>
    %dma_wait3A_102 = tpu.memref_squeeze %dma_wait3A_101 : memref<1x128x64xf32, #tpu.memory_space<vmem>> -> memref<128x64xf32, #tpu.memory_space<vmem>>
    tpu.wait_dma2 semaphore(%arg14 : memref<!tpu.dma_semaphore, #tpu.memory_space<semaphore_mem>>) src(%dma_wait3A_102 : memref<128x64xf32, #tpu.memory_space<vmem>>) dst(%dma_wait3A_98 : memref<128x64xf32, #tpu.memory_space<hbm>>)
    return
  }
}

module attributes {stable_mosaic.version = 14 : i64} {
  func.func @_tc_epilogue(%arg0: i32, %arg1: memref<64x200x128xf32, #tpu.memory_space<vmem>>, %arg2: memref<100x128xf32, #tpu.memory_space<vmem>>, %arg3: memref<100x128x128xf32, #tpu.memory_space<vmem>>) attributes {dimension_semantics = [#tpu.dimension_semantics<arbitrary>], iteration_bounds = array<i64: 32>, scalar_prefetch = 0 : i64, scratch_operands = 0 : i64, tpu.core_type = #tpu.core_type<tc>, window_params = [{transform_indices = @transform_0, window_bounds = array<i64: 64, 200, 128>}, {pipeline_mode = #tpu.pipeline_mode<synchronous>, transform_indices = @transform_1, window_bounds = array<i64: 100, 128>}, {transform_indices = @transform_2, window_bounds = array<i64: 100, 128, 128>}]} {
    %get3A = arith.constant 0 : index
    %get3A_0 = arith.constant 0 : index
    %get3A_1 = arith.constant 0 : index
    %get3A_2 = vector.load %arg1[%get3A, %get3A_0, %get3A_1] : memref<64x200x128xf32, #tpu.memory_space<vmem>>, vector<64x200x128xf32>
    %reshape3A = vector.shape_cast %get3A_2 : vector<64x200x128xf32> to vector<128x100x128xf32>
    %transpose3A = tpu.transpose %reshape3A, [1, 2, 0] : vector<128x100x128xf32> -> vector<100x128x128xf32>
    %mul3A = arith.constant 8.000000e+00 : f32
    %mul3A_3 = vector.broadcast %mul3A : f32 to vector<100x128x128xf32>
    %mul3A_4 = arith.mulf %transpose3A, %mul3A_3 : vector<100x128x128xf32>
    %get3A_5 = arith.constant 0 : index
    %get3A_6 = arith.constant 0 : index
    %get3A_7 = vector.load %arg2[%get3A_5, %get3A_6] : memref<100x128xf32, #tpu.memory_space<vmem>>, vector<100x128xf32>
    %broadcast_in_dim3A = vector.shape_cast %get3A_7 : vector<100x128xf32> to vector<100x128x1xf32>
    %add3A = vector.broadcast %broadcast_in_dim3A : vector<100x128x1xf32> to vector<100x128x128xf32>
    %add3A_8 = arith.addf %mul3A_4, %add3A : vector<100x128x128xf32>
    %swap3A = arith.constant 0 : index
    %swap3A_9 = arith.constant 0 : index
    %swap3A_10 = arith.constant 0 : index
    %swap3A_11 = vector.load %arg3[%swap3A, %swap3A_9, %swap3A_10] : memref<100x128x128xf32, #tpu.memory_space<vmem>>, vector<100x128x128xf32>
    tpu.vector_store %arg3[%swap3A, %swap3A_9, %swap3A_10], %add3A_8 {strides = array<i32>} : memref<100x128x128xf32, #tpu.memory_space<vmem>>, vector<100x128x128xf32>,
    return
  }
  func.func @transform_0(%arg0: i32) -> (i32, i32, i32) {
    %c0_i32 = arith.constant 0 : i32
    %c0_i32_0 = arith.constant 0 : i32
    %c0_i32_1 = arith.constant 0 : i32
    return %arg0, %c0_i32, %c0_i32_0 : i32, i32, i32
  }
  func.func @transform_1(%arg0: i32) -> (i32, i32) {
    %c0_i32 = arith.constant 0 : i32
    %c0_i32_0 = arith.constant 0 : i32
    %c0_i32_1 = arith.constant 0 : i32
    return %c0_i32, %c0_i32_0 : i32, i32
  }
  func.func @transform_2(%arg0: i32) -> (i32, i32, i32) {
    %c0_i32 = arith.constant 0 : i32
    %c0_i32_0 = arith.constant 0 : i32
    %c0_i32_1 = arith.constant 0 : i32
    return %c0_i32, %c0_i32_0, %arg0 : i32, i32, i32
  }
}

</mosaic_0001>

<sc_bundles>
// kernel: kernel.4.cloned.1.call-start
scs
__scs_entry_jumppad:
0x0: {  	(pc) =	sbr.rel $0x88, $3  }
0x1: {  	(tag) =	ssettag $0x0;
	lr =	simm.s32 $0x1  }
0x2: {  	[smem:$0x3F9E] =	sst lr;
	_ =	strace $0xD0000000  }
0x3: {  	_ = 	snop  }
0x4: {  	_ = 	snop  }
0x5: {  	_ = 	snop  }
0x6: {  	_ = 	snop  }
0x7: {  	_ = 	snop  }
__scs_overlays_trampoline_lowered:
0x8: {  	[smem:$0x3FAD] =	sst s0  }
0x9: {  	[smem:$0x3FAE] =	sst s1  }
0xa: {  	[smem:$0x3FAF] =	sst s2  }
0xb: {  	[smem:$0x3FB0] =	sst s3  }
0xc: {  	[smem:$0x3FB1] =	sst s4  }
0xd: {  	[smem:$0x3FB2] =	sst s5  }
0xe: {  	[smem:$0x3FB3] =	sst s6  }
0xf: {  	[smem:$0x3FB4] =	sst s7  }
0x10: {  	[smem:$0x3FB5] =	sst s8  }
0x11: {  	[smem:$0x3FB6] =	sst s9;
	s0 =	simm.s32 @!p0 $0x0  }
0x12: {  	s1 =	sld [smem:$0x3F9C];
	s0 =	simm.s32 @p0 $0x1  }
0x13: {  	[smem:$0x3FB7] =	sst s0;
	s0 =	simm.s32 @!p1 $0x0  }
0x14: {  	s2 =	sld [smem:$0x3F9B];
	s0 =	simm.s32 @p1 $0x1  }
0x15: {  	[smem:$0x3FB8] =	sst s0;
	s0 =	simm.s32 @!p2 $0x0  }
0x16: {  	s3 =	sld [smem:$0x3FDB];
	s0 =	simm.s32 @p2 $0x1  }
0x17: {  	s4 =	simm.s32 $0x1BF5;
	[smem:$0x3FBA] =	sst s0  }
0x18: {  	s0 =	sld [smem:$0x3F9D];
	_ =	swait.ge [sflag:s4], $0x0  }
0x19: {  	s7 =	sld [smem:$0x3F9E]  }
0x1a: {  	s8 =	sadd.s32 $0xFFFFE003, lr  }
0x1b: {  	s9 =	sadd.s32 $0xFFFFFEF7, lr;
	s5 =	simm.s32 $0xFFFFFFFF;
	p2 =	slt.u32 s8, $0xFFFFF086  }
0x1c: {  	p1 =	slt.u32 s9, $0xF7A;
	s5 =	simm.s32 @!p2 $0x0  }
0x1d: {  	s5 =	simm.s32 @p1 $0x1;
	p0 =	seq.s32 s7, s2  }
0x1e: {  	s7 =	smul.u32 @!p0 $0xF7A, s2;
	p2 =	seq.s32 @!p0 s5, $0x0  }
0x1f: {  	s9 =	smul.u32 $0xF7A, s1;
	s8 =	simm.s32 @!p0 $0x1BF5;
	p2 =	por !p2, p0  }
0x20: {  	[sflag:s8] =	ssyncset.s32 @!p0 $0xFFFFF086;
	s6 =	sadd.s32 @!p0 s3, s7;
	s7 =	simm.s32 @!p0 $0x108  }
0x21: {  	s3 =	sadd.s32 s3, s9;
	s6 =	sadd.s32 @!p0 $0x88, s6;
	s7 =	simm.s32 @p2 $0x1082  }
0x22: {  	[simem:s7], [sflag:s8] =	dma.local @!p0 [hbm:s6], $0xF7A  }
0x23: {  	s9 =	sor.u32 $0xD0000000, s2;
	s6 =	simm.s32 $0x108;
	_ =	swait.ge @!p0 [sflag:s8], $0x0  }
0x24: {  	s3 =	sadd.s32 $0x88, s3;
	s6 =	simm.s32 @!p1 $0x1082;
	[sflag:s4] =	ssyncset.s32 $0xFFFFF086  }
0x25: {  	[simem:s6], [sflag:s4] =	dma.local [hbm:s3], $0xF7A  }
0x26: {  	[smem:$0x3F9E] =	sst s1;
	(tag) =	ssettag s2;
	_ =	strace s9  }
0x27: {  	s1 =	sld [smem:$0x3FAE]  }
0x28: {  	s2 =	sld [smem:$0x3FAF]  }
0x29: {  	s4 =	sld [smem:$0x3FB1]  }
0x2a: {  	p0 =	seq.s32 s5, $0x0;
	s5 =	sld [smem:$0x3FB2]  }
0x2b: {  	s6 =	sld [smem:$0x3FB3]  }
0x2c: {  	s7 =	sld [smem:$0x3FB4]  }
0x2d: {  	s3 =	simm.s32 $0x108;
	s8 =	sld [smem:$0x3FB5]  }
0x2e: {  	s3 =	simm.s32 @!p0 $0x1082;
	s9 =	sld [smem:$0x3FB6]  }
0x2f: {  	lr =	sadd.s32 s0, s3;
	s0 =	sld [smem:$0x3FAD]  }
0x30: {  	s3 =	sld [smem:$0x3FB0]  }
0x31: {  	[smem:$0x3FB9] =	sst s10  }
0x32: {  	s10 =	sld [smem:$0x3FB7];
	_ =	sdelay $0x3  }
0x33: {  	p0 =	seq.s32 s10, $0x1;
	s10 =	sld [smem:$0x3FB9];
	_ =	sdelay $0x3  }
0x34: {  	[smem:$0x3FB9] =	sst s10  }
0x35: {  	s10 =	sld [smem:$0x3FB8];
	_ =	sdelay $0x3  }
0x36: {  	p1 =	seq.s32 s10, $0x1;
	s10 =	sld [smem:$0x3FB9];
	_ =	sdelay $0x3  }
0x37: {  	[smem:$0x3FB9] =	sst s10  }
0x38: {  	s10 =	sld [smem:$0x3FBA]  }
0x39: {  	_ = 	snop;
	(pc) =	sbr.ind lr, $3  }
0x3a: {  	_ = 	snop  }
0x3b: {  	_ = 	snop  }
0x3c: {  	p2 =	seq.s32 s10, $0x1;
	s10 =	sld [smem:$0x3FB9]  }
0x3d: {  	_ =	shalt  }
0x3e: {  	_ =	shalt  }
0x3f: {  	_ =	shalt  }
0x40: {  	_ =	shalt  }
0x41: {  	_ =	shalt  }
0x42: {  	_ =	shalt  }
0x43: {  	_ =	shalt  }
0x44: {  	_ =	shalt  }
0x45: {  	_ =	shalt  }
0x46: {  	_ =	shalt  }
0x47: {  	_ =	shalt  }
0x48: {  	_ =	shalt  }
0x49: {  	_ =	shalt  }
0x4a: {  	_ =	shalt  }
0x4b: {  	_ =	shalt  }
0x4c: {  	_ =	shalt  }
0x4d: {  	_ =	shalt  }
0x4e: {  	_ =	shalt  }
0x4f: {  	_ =	shalt  }
0x50: {  	_ =	shalt  }
0x51: {  	_ =	shalt  }
0x52: {  	_ =	shalt  }
0x53: {  	_ =	shalt  }
0x54: {  	_ =	shalt  }
0x55: {  	_ =	shalt  }
0x56: {  	_ =	shalt  }
0x57: {  	_ =	shalt  }
0x58: {  	_ =	shalt  }
0x59: {  	_ =	shalt  }
0x5a: {  	_ =	shalt  }
0x5b: {  	_ =	shalt  }
0x5c: {  	_ =	shalt  }
0x5d: {  	_ =	shalt  }
0x5e: {  	_ =	shalt  }
0x5f: {  	_ =	shalt  }
0x60: {  	_ =	shalt  }
0x61: {  	_ =	shalt  }
0x62: {  	_ =	shalt  }
0x63: {  	_ =	shalt  }
0x64: {  	_ =	shalt  }
0x65: {  	_ =	shalt  }
0x66: {  	_ =	shalt  }
0x67: {  	_ =	shalt  }
0x68: {  	_ =	shalt  }
0x69: {  	_ =	shalt  }
0x6a: {  	_ =	shalt  }
0x6b: {  	_ =	shalt  }
0x6c: {  	_ =	shalt  }
0x6d: {  	_ =	shalt  }
0x6e: {  	_ =	shalt  }
0x6f: {  	_ =	shalt  }
0x70: {  	_ =	shalt  }
0x71: {  	_ =	shalt  }
0x72: {  	_ =	shalt  }
0x73: {  	_ =	shalt  }
0x74: {  	_ =	shalt  }
0x75: {  	_ =	shalt  }
0x76: {  	_ =	shalt  }
0x77: {  	_ =	shalt  }
0x78: {  	_ =	shalt  }
0x79: {  	_ =	shalt  }
0x7a: {  	_ =	shalt  }
0x7b: {  	_ =	shalt  }
0x7c: {  	_ =	shalt  }
0x7d: {  	_ =	shalt  }
0x7e: {  	_ =	shalt  }
0x7f: {  	_ =	shalt  }
0x80: {  	_ =	shalt  }
0x81: {  	_ =	shalt  }
0x82: {  	_ =	shalt  }
0x83: {  	_ =	shalt  }
0x84: {  	_ =	shalt  }
0x85: {  	_ =	shalt  }
0x86: {  	_ =	shalt  }
0x87: {  	_ =	shalt  }
.Lfunc_end0:
.L_simem_size_0:
called_computation_lowered:
.L_overlay_start_0:
0x88: {  	s2 =	sld [smem:$0x3FD9]  }
0x89: {  	s3 =	sld [smem:$0x3FFE];
	_ =	sdelay $0x1  }
0x8a: {  	s1 =	srdreg.scid  }
0x8b: {  	s0 =	sand.u32 $0x1, s1  }
0x8c: {  	s16 =	sshll.u32 s0, $0xA;
	s2 =	sadd.s32 s3, s2  }
0x8d: {  	s2 =	sadd.s32 s2, s16  }
0x8e: {  	[smem:$0x3FC5] =	sst s2  }
0x8f: {  	_ = 	snop  }
0x90: {  	(tm) =	ssettm $0x1  }
0x91: {  	s17 =	sld [smem:$0x3FFB];
	_ =	sdelay $0x3  }
0x92: {  	_ =	strace s17  }
0x93: {  	s2 =	sld [smem:$0x3FFC];
	_ =	sdelay $0x3  }
0x94: {  	_ =	strace s2  }
0x95: {  	s2 =	sld [smem:$0x3FFD];
	_ =	sdelay $0x3  }
0x96: {  	_ =	strace s2  }
0x97: {  	_ =	strace $0x8FFFFFFF  }
0x98: {  	s18 =	sld [smem:$0x3FDB];
	_ =	sdelay $0x1  }
0x99: {  	s19 =	simm.s32 $_scs_section_size  }
0x9a: {  	s4 =	simm.s32 $_size__tile_overlayer_lowered;
	s5 =	simm.s32 $_tile_overlayer_lowered  }
0x9b: {  	s22 =	simm.s32 $0x1BFF;
	s21 =	sshll.u32 s5, $0x1;
	s2 =	sadd.s32 s19, s18  }
0x9c: {  	s6 =	simm.s32 $0x0;
	s20 =	sshll.u32 s4, $0x1;
	s4 =	sadd.s32 s21, s2  }
0x9d: {  	[timem:s6], [sflag:s22] =	dma.local [hbm:s4], s20  }
0x9e: {  	_ =	swait.ge [sflag:s22], s20  }
0x9f: {  	s3 =	ssub.s32 $0x0, s20;
	[sflag:s22] =	ssyncset.done $0x0  }
0xa0: {  	[sflag:s22] =	ssyncadd.s32 s3;
	_ =	sdelay $0x1  }
0xa1: {  	s23 =	simm.s32 $0x1B8B  }
0xa2: {  	_ =	swait.ge [sflag:s23], $0x1  }
0xa3: {  	[sflag:s23] =	ssyncset.done $0x0  }
0xa4: {  	s25 =	simm.s32 $0x1B8E;
	s24 =	sld [smem:$0x3FFE];
	[sflag:s23] =	ssyncadd.s32 $0xFFFFFFFF  }
0xa5: {  	s26 =	simm.s32 $execute0_lowered;
	[smem:$0x3FD2] =	sst s25  }
0xa6: {  	s4 =	sshll.u32 s26, $0x1;
	_ =	strace $0x80000046;
	[dreg:$0x1] =	wrdreg $0xFFFFFFFF  }
0xa7: {  	s28 =	simm.s32 $_size_execute0_lowered;
	s2 =	sadd.s32 s2, s4;
	[dreg:$0x0] =	wrdreg $0x0  }
0xa8: {  	s4 =	sshll.u32 s28, $0x1;
	[dreg:$0x2] =	wrdreg s2  }
0xa9: {  	[dreg:$0x3] =	wrdreg s4  }
0xaa: {  	[dreg:$0x4] =	wrdreg $0xC0  }
0xab: {  	_ =	task [dreg:s6], $0x5FFFF  }
0xac: {  	[dreg:$0x1] =	wrdreg $0xFFFFFFFF  }
0xad: {  	[dreg:$0x0] =	wrdreg $0x60  }
0xae: {  	[dreg:$0x2] =	wrdreg s24  }
0xaf: {  	[dreg:$0x3] =	wrdreg $0x9  }
0xb0: {  	_ =	task.clear_ibuf [dreg:s6], $0x4FFFF;
	_ =	strace $0x90000046  }
0xb1: {  	s29 =	simm.s32 $0x9;
	_ =	strace $0x80000048  }
0xb2: {  	_ =	swait.ge [sflag:s29], $0x1  }
0xb3: {  	[sflag:s29] =	ssyncadd.s32 $0xFFFFFFFF  }
0xb4: {  	_ =	strace $0x90000048  }
0xb5: {  	_ =	sfence  }
0xb6: {  	s30 =	sld [smem:$0x0];
	_ =	sdelay $0x2  }
0xb7: {  	s31 =	sshll.u32 s1, $0xD;
	s1 =	sshrl.u32 s1, $0x2  }
0xb8: {  	s3 =	sand.u32 $0x4000, s31;
	s1 =	sadd.s32 s1, s30  }
0xb9: {  	s0 =	sor.u32 s3, s0;
	s1 =	sshll.u32 s1, $0x11  }
0xba: {  	s0 =	sor.u32 s1, s0  }
0xbb: {  	s0 =	sadd.s32 $0x8F2B, s0  }
0xbc: {  	[sflag:s0] =	ssyncadd.remote.s32 $0x1  }
0xbd: {  	_ =	sfence.sel $0xFFFF  }
0xbe: {  	[dreg:$0x0] =	wrdreg $0xFFFFFFFF;
	(pc) =	sbr.abs _section_cstart, $3  }
0xbf: {  	[dreg:$0x1] =	wrdreg $0xFFFFFFFF  }
0xc0: {  	_ =	task.clear_ibuf [dreg:s6], $0x2FFFF;
	_ =	strace $0x9FFFFFFF  }
0xc1: {  	(tm) =	ssettm $0x7FFFFFFF  }
tec
execute0_lowered:
.L_overlay_start_1:
0x0: {  	(tag) =	ssettag $0x1  }
0x1: {  	s1 =	srdreg.scid;
	s0 =	stileid.u32  }
0x2: {  	s4 =	rddreg [dreg:$0x0];
	s12 =	simm.s32 $0x80;
	s13 =	simm.s32 $0x6400  }
0x3: {  	s14 =	simm.s32 $0x8400;
	s16 =	simm.s32 $0xA400;
	s17 =	simm.s32 $0x1  }
0x4: {  	s18 =	simm.s32 $0xC400;
	s19 =	simm.s32 $0x2;
	s20 =	simm.s32 $0x4  }
0x5: {  	s21 =	simm.s32 $0x5;
	s22 =	simm.s32 $0x6;
	s23 =	simm.s32 $0x7  }
0x6: {  	s24 =	simm.s32 $0x8;
	s1 =	sand.u32 $0x1, s1;
	s2 =	sshll.u32 s0, $0x1  }
0x7: {  	s25 =	simm.s32 $0x0;
	s7 =	smul.u32 $0x320000, s0;
	s3 =	sor.u32 s1, s2  }
0x8: {  	s2 =	simm.s32 $0x0;
	s8 =	ssub.s32 $0x2, s1;
	s1 =	smul.u32 $0x190000, s1  }
0x9: {  	s10 =	sadd.s32 $0xDCC00, s4;
	s5 =	smul.u32 $0xC80, s3;
	[smem:$0x7FF] =	sst s2  }
0xa: {  	s6 =	smul.u32 $0x190000, s3;
	s3 =	sadd.s32 $0x19600, s4;
	s28 =	sshrl.u32 s8, $0x1  }
0xb: {  	_ =	strace $0x80000047;
	s8 =	ssub.s32 s8, s28;
	s1 =	sadd.s32 s1, s7  }
0xc: {  	s5 =	sadd.s32 s5, s4;
	s6 =	sshrl.u32 s6, $0x3;
	s7 =	sor.u32 $0x4000, s1  }
0xd: {  	s30 =	smax.u32 s8, $0x1;
	s31 =	sor.u32 $0x2000, s1;
	s9 =	sor.u32 $0x6000, s1  }
.Ltmp0:
0xe: {  	s1 =	sshrl.u32 s1, $0x3;
	s29 =	sadd.s32 $0x600, s5;
	(pc) =	sbr.rel .LBB2_1-.Ltmp0, $4  }
0xf: {  	s6 =	sadd.s32 s10, s6;
	[dreg:$0x3] =	wrdreg s30;
	s7 =	sshrl.u32 s7, $0x3  }
0x10: {  	s8 =	sshrl.u32 s31, $0x3;
	s11 =	sshrl.u32 s9, $0x3;
	s9 =	sadd.s32 s1, s10  }
0x11: {  	[dreg:$0x2] =	wrdreg s29;
	s6 =	sadd.s32 $0x31800, s6;
	s7 =	sadd.s32 s7, s10  }
0x12: {  	s8 =	sadd.s32 s8, s10;
	s10 =	sadd.s32 s11, s10;
	s11 =	simm.s32 $0x9  }
.LBB2_4:
0x13: {  	_ =	swait.ge [sflag:s21], $0x2000  }
0x14: {  	[sflag:s21] =	ssyncset.done $0x0  }
0x15: {  	[sflag:s21] =	ssyncadd.s32 $0xFFFFE000  }
0x16: {  	_ =	swait.ge [sflag:s22], $0x2000  }
0x17: {  	[sflag:s22] =	ssyncset.done $0x0  }
0x18: {  	[sflag:s22] =	ssyncadd.s32 $0xFFFFE000  }
0x19: {  	_ =	swait.ge [sflag:s23], $0x2000  }
0x1a: {  	[sflag:s23] =	ssyncset.done $0x0  }
0x1b: {  	[sflag:s23] =	ssyncadd.s32 $0xFFFFE000  }
0x1c: {  	_ =	swait.ge [sflag:s24], $0x2000  }
0x1d: {  	s25 =	sadd.s32 $0x1, s25;
	s0 =	rddreg [dreg:$0x3]  }
0x1e: {  	p0 =	sne.s32 s25, s0  }
.Ltmp1:
0x1f: {  	_ = 	snop;
	(pc) =	sbr.rel @!p0 .LBB2_5-.Ltmp1, $3  }
0x20: {  	_ =	sdelay $0x1  }
0x21: {  	[sflag:s24] =	ssyncset.done $0x0  }
0x22: {  	[sflag:s24] =	ssyncadd.s32 $0xFFFFE000  }
.LBB2_1:
0x23: {  	s0 =	rddreg [dreg:$0x2]  }
0x24: {  	[tilespmem:s2], [sflag:$0x9] =	stream.linear.gather [hbm4b:s0+s2], $0x6400, $0x38;
	[tilespmem:$0xE400] =	vst v63  }
0x25: {  	_ =	swait.ge [sflag:s11], $0x6400  }
0x26: {  	[sflag:s11] =	ssyncset.done $0x0  }
0x27: {  	[sflag:s11] =	ssyncadd.s32 $0xFFFF9C00  }
0x28: {  	[tilespmem:s13], [sflag:$0x1] =	stream.indirect.gather [hbm4b:s3+s12], $0x40, s2, s12, $0xb8;
	[tilespmem:$0xE400] =	vst v63  }
0x29: {  	_ = 	snop  }
0x2a: {  	[tilespmem:s14], [sflag:$0x2] =	stream.indirect.gather [hbm4b:s3+s12], $0x40, s12, s12, $0xb8;
	[tilespmem:$0xE400] =	vst v63  }
0x2b: {  	s26 =	simm.s32 $0x100;
	s28 =	smov.u32 s9;
	s29 =	smov.u32 s8  }
0x2c: {  	[tilespmem:s16], [sflag:$0x3] =	stream.indirect.gather [hbm4b:s3+s12], $0x40, s26, s12, $0xb8;
	[tilespmem:$0xE400] =	vst v63  }
0x2d: {  	s30 =	smov.u32 s7;
	s31 =	simm.s32 $0x0;
	s26 =	smov.u32 s10  }
.LBB2_2:
0x2e: {  	_ =	swait.ge [sflag:s17], $0x2000  }
0x2f: {  	p0 =	seq.s32 s31, $0x0;
	[sflag:s17] =	ssyncset.done $0x0  }
0x30: {  	s0 =	simm.s32 @!p0 $0x8;
	[sflag:s17] =	ssyncadd.s32 $0xFFFFE000  }
0x31: {  	[hbm4b:s28+s2] =	stream.linear.scatter [tilespmem:s13], [sflag:$0x5], $0x2000, $0x38;
	[tilespmem:$0xE400] =	vst v63  }
0x32: {  	_ =	swait.ge @!p0 [sflag:s0], $0x2000  }
0x33: {  	s1 =	sshra.s32 s31, $0x2;
	[sflag:s0] =	ssyncset.done @!p0 $0x0  }
0x34: {  	s15 =	sadd.s32 $0x180, s1;
	[sflag:s0] =	ssyncadd.s32 @!p0 $0xFFFFE000  }
0x35: {  	[tilespmem:s18], [sflag:$0x4] =	stream.indirect.gather [hbm4b:s3+s12], $0x40, s15, s12, $0xb8;
	[tilespmem:$0xE400] =	vst v63  }
0x36: {  	_ =	swait.ge [sflag:s19], $0x2000  }
0x37: {  	p0 =	seq.s32 s31, $0x18800;
	[sflag:s19] =	ssyncset.done $0x0  }
0x38: {  	s0 =	simm.s32 @p0 $0x3;
	[sflag:s19] =	ssyncadd.s32 $0xFFFFE000  }
0x39: {  	[hbm4b:s29+s2] =	stream.linear.scatter [tilespmem:s14], [sflag:$0x6], $0x2000, $0x38;
	[tilespmem:$0xE400] =	vst v63  }
0x3a: {  	_ =	swait.ge @p0 [sflag:s0], $0x2000  }
0x3b: {  	[sflag:s0] =	ssyncset.done @p0 $0x0  }
0x3c: {  	s15 =	simm.s32 @p0 $0xA400;
	[sflag:s0] =	ssyncadd.s32 @p0 $0xFFFFE000;
	s0 =	simm.s32 @p0 $0x0  }
0x3d: {  	[hbm4b:s6+s0] =	stream.linear.scatter @p0 [tilespmem:s15], [sflag:$0x7], $0x2000, $0x38;
	[tilespmem:$0xE400] =	vst v63  }
0x3e: {  	s0 =	simm.s32 @!p0 $0x5  }
0x3f: {  	_ =	swait.ge @!p0 [sflag:s0], $0x2000  }
0x40: {  	[sflag:s0] =	ssyncset.done @!p0 $0x0  }
0x41: {  	[sflag:s0] =	ssyncadd.s32 @!p0 $0xFFFFE000;
	s0 =	sshra.s32 @!p0 s31, $0x2  }
0x42: {  	s4 =	simm.s32 @!p0 $0x80;
	s5 =	simm.s32 @!p0 $0x6400;
	s15 =	sadd.s32 @!p0 $0x200, s0  }
0x43: {  	[tilespmem:s5], [sflag:$0x1] =	stream.indirect.gather @!p0 [hbm4b:s3+s4], $0x40, s15, s4, $0xb8;
	[tilespmem:$0xE400] =	vst v63  }
0x44: {  	s5 =	simm.s32 @!p0 $0x3  }
0x45: {  	_ =	swait.ge @!p0 [sflag:s5], $0x2000  }
0x46: {  	[sflag:s5] =	ssyncset.done @!p0 $0x0  }
0x47: {  	s15 =	simm.s32 @!p0 $0xA400;
	[sflag:s5] =	ssyncadd.s32 @!p0 $0xFFFFE000;
	s5 =	simm.s32 @!p0 $0x0  }
0x48: {  	[hbm4b:s30+s5] =	stream.linear.scatter @!p0 [tilespmem:s15], [sflag:$0x7], $0x2000, $0x38;
	[tilespmem:$0xE400] =	vst v63  }
0x49: {  	s5 =	simm.s32 @!p0 $0x6  }
0x4a: {  	_ =	swait.ge @!p0 [sflag:s5], $0x2000  }
0x4b: {  	[sflag:s5] =	ssyncset.done @!p0 $0x0  }
0x4c: {  	s0 =	sadd.s32 @!p0 $0x280, s0;
	[sflag:s5] =	ssyncadd.s32 @!p0 $0xFFFFE000;
	s5 =	simm.s32 @!p0 $0x8400  }
0x4d: {  	[tilespmem:s5], [sflag:$0x2] =	stream.indirect.gather @!p0 [hbm4b:s3+s4], $0x40, s0, s4, $0xb8;
	[tilespmem:$0xE400] =	vst v63  }
.Ltmp2:
0x4e: {  	_ = 	snop;
	(pc) =	sbr.rel @p0 .LBB2_4-.Ltmp2, $4  }
0x4f: {  	_ =	swait.ge [sflag:s20], $0x2000  }
0x50: {  	[sflag:s20] =	ssyncset.done $0x0  }
0x51: {  	[sflag:s20] =	ssyncadd.s32 $0xFFFFE000  }
0x52: {  	[hbm4b:s26+s2] =	stream.linear.scatter [tilespmem:s18], [sflag:$0x8], $0x2000, $0x38;
	[tilespmem:$0xE400] =	vst v63  }
.Ltmp3:
0x53: {  	(pc) =	sbr.rel .LBB2_2-.Ltmp3, $4  }
0x54: {  	_ =	swait.ge [sflag:s23], $0x2000;
	s0 =	sadd.s32 $0x300, s1;
	s31 =	sadd.s32 $0x800, s31  }
0x55: {  	s30 =	sadd.s32 $0x1000, s30;
	s29 =	sadd.s32 $0x1000, s29;
	[sflag:s23] =	ssyncset.done $0x0  }
0x56: {  	s28 =	sadd.s32 $0x1000, s28;
	s26 =	sadd.s32 $0x1000, s26;
	[sflag:s23] =	ssyncadd.s32 $0xFFFFE000  }
0x57: {  	[tilespmem:s16], [sflag:$0x3] =	stream.indirect.gather [hbm4b:s3+s12], $0x40, s0, s12, $0xb8;
	[tilespmem:$0xE400] =	vst v63  }
.LBB2_5:
0x58: {  	_ =	sfence.sel $0x180000  }
0x59: {  	[bflag:$0x0] =	sbarrier.arrive $0xFFFF  }
0x5a: {  	_ =	strace $0x90000047  }
0x5b: {  	s0 =	stileid.u32;
	[bflag:$0x2] =	sbarrier.arrive $0xFFFF  }
0x5c: {  	p0 =	sne.s32 s0, $0x0;
	s0 =	rddreg [dreg:$0x1]  }
0x5d: {  	s0 =	sadd.s32 @!p0 $0x100000, s0  }
0x5e: {  	[sflag:s0] =	ssyncadd.tile.s32 @!p0 $0x1;
	_ =	shalt  }
.Lfunc_end2:
_tile_overlayer_lowered:
.L_overlay_start_2:
0x5f: {  	(tag) =	ssettag $0x2  }
0x60: {  	s0 =	rddreg [dreg:$0x0];
	s2 =	stileid.u32  }
0x61: {  	s1 =	rddreg [dreg:$0x1];
	p0 =	sne.s32 s2, $0x0  }
0x62: {  	s3 =	rddreg [dreg:$0x2];
	[bflag:$0x3] =	sbarrier.arrive $0xFFFF;
	s2 =	simm.s32 @!p0 $0x1C09  }
0x63: {  	[timem:s3], [sflag:s2] =	dma.local @!p0 [hbm:s0], s1  }
0x64: {  	s0 =	simm.s32 @!p0 $0x9  }
0x65: {  	_ =	swait.ge @!p0 [sflag:s0], s1  }
0x66: {  	s1 =	ssub.s32 @!p0 $0x0, s1;
	[sflag:s0] =	ssyncset.done @!p0 $0x0  }
0x67: {  	[sflag:s0] =	ssyncadd.s32 @!p0 s1  }
0x68: {  	[bflag:$0x3] =	sbarrier.arrive $0xFFFF  }
0x69: {  	_ =	shalt  }

</sc_bundles>
